<compile_context>
chip_gen: v7x
topology: tpu7x:2x2x1
jax: 0.10.2.dev20260603
libtpu: 0.0.44.dev20260713+nightly
codegen_flags: <defaults>
</compile_context>

<pallas_src>
import jax
import jax.numpy as jnp
from jax import lax
from jax.experimental import pallas as pl
from jax.experimental.pallas import tpu as pltpu
from jax.experimental.pallas import tpu_sc as plsc

_BATCH = 16384
_HIST = 200
_EMBED = 16
_N = _BATCH * _HIST

_HT = _HIST // 8
_BT = _BATCH // 128
_TILES = _HT * _BT
_TPS = 2


def _sc_gather(table, idx_phys):
    vector_mesh = plsc.VectorSubcoreMesh(
        core_axis_name="core", subcore_axis_name="subcore"
    )

    @pl.kernel(
        out_type=jax.ShapeDtypeStruct((_N, _EMBED), jnp.float32),
        mesh=vector_mesh,
        scratch_types=[pltpu.VMEM((_TPS * 1024,), jnp.int32)],
        compiler_params=pltpu.CompilerParams(
            use_tc_tiling_on_sc=False, needs_layout_passes=False
        ),
    )
    def gather_kernel(x_hbm, i_hbm, o_hbm, idx_t):
        core_id = lax.axis_index("core")
        steps_per_core = _TILES // _TPS // 2
        step0 = core_id * steps_per_core
        iota16 = lax.iota(jnp.int32, 16)
        base_vec = (iota16 % 8) * 128 + iota16 // 8

        def body(i_vmem, o_vmem):
            def v_body(v, carry):
                k = v // 64
                ids = base_vec + 2 * (v % 64)
                vec = plsc.load_gather(i_vmem, [iota16 * 0 + k, ids])
                idx_t[pl.ds(v * 16, 16)] = vec
                return carry

            lax.fori_loop(0, _TPS * 64, v_body, 0)
            pltpu.sync_copy(x_hbm.at[idx_t], o_vmem)

        pltpu.emit_pipeline(
            body,
            grid=(steps_per_core,),
            in_specs=[
                pl.BlockSpec((_TPS, 1024), index_map=lambda i: (step0 + i, 0))
            ],
            out_specs=[
                pl.BlockSpec(
                    (_TPS * 1024, _EMBED),
                    index_map=lambda i: (step0 + i, 0),
                )
            ],
            core_axis_name="subcore",
            dimension_semantics=(pltpu.PARALLEL,),
        )(i_hbm, o_hbm)

    return gather_kernel(table, idx_phys)


_TC_STEP = 128


def _tc_permute(rows_view):
    def body(in_ref, out_ref):
        x = in_ref[...]
        x3 = x.reshape(_TC_STEP, 128, 128)
        y3 = x3.transpose(0, 2, 1)
        y5 = y3.reshape(_TC_STEP, 8, 2, 8, 128)
        out_ref[...] = y5.transpose(1, 2, 0, 3, 4)

    return pl.pallas_call(
        body,
        grid=(_TILES // _TC_STEP,),
        in_specs=[pl.BlockSpec((_TC_STEP * 128, 128), lambda i: (i, 0))],
        out_specs=pl.BlockSpec(
            (8, 2, _TC_STEP, 8, 128),
            lambda i: (i // (_BT // _TC_STEP), 0, i % (_BT // _TC_STEP), 0, 0),
        ),
        out_shape=jax.ShapeDtypeStruct((_HIST, 2, _BT, 8, 128), jnp.float32),
    )(rows_view)


def kernel(pitch_type, table):
    idx_phys = (
        pitch_type.T.reshape(_HT, 8, _BT, 128)
        .transpose(0, 2, 1, 3)
        .reshape(_TILES, 1024)
        .astype(jnp.int32)
    )

    rows = _sc_gather(table, idx_phys)
    rows_view = rows.reshape(409600, 128)
    out_phys = _tc_permute(rows_view)

    return out_phys.transpose(2, 4, 0, 1, 3).reshape(_BATCH, _HIST, _EMBED)

# --- scband reference (transcript-rebuilt; emitter-appended) ---
"""Pipeline reference for scband-expandable-embedding-49632642072861 (READ-ONLY COPY).

The authoritative reference and input builder live on the scoring server;
editing this copy changes nothing except your own understanding.
"""

import jax, jax.numpy as jnp
import numpy as np

NUM_PITCH_TYPES = 1000000
EMBED_DIM = 16
BATCH = 16384
HIST = 200

def setup_inputs(seed: int = 0) -> dict:
    key = jax.random.key(seed)
    k1, k2 = jax.random.split(key)
    pitch_type = jax.random.randint(k1, (BATCH, HIST), 0, NUM_PITCH_TYPES, dtype=jnp.int64 if jax.config.jax_enable_x64 else jnp.int32)
    # embedding table: torch nn.Embedding default init is N(0,1)
    table = jax.random.normal(k2, (NUM_PITCH_TYPES, EMBED_DIM), dtype=jnp.float32)
    return {"pitch_type": pitch_type, "table": table}

def reference(pitch_type, table):
    # ExpandableEmbedding.forward: simple embedding lookup
    return jnp.take(table, pitch_type, axis=0)

if __name__ == "__main__":
    import jax
    _d = setup_inputs()
    print(jax.jit(kernel)(*tuple(_d.values())))

</pallas_src>

<mosaic_0001>
#map = affine_map<(d0, d1) -> (0, 0)>
module attributes {stable_mosaic.version = 14 : i64} {
  func.func @gather_kernel(%arg0: i32, %arg1: i32, %arg2: memref<1000000x16xf32, #tpu.memory_space<hbm>>, %arg3: memref<3200x1024xi32, #tpu.memory_space<hbm>>, %arg4: memref<3276800x16xf32, #tpu.memory_space<hbm>>, %arg5: memref<2048xi32, #tpu.memory_space<vmem>>) attributes {dimension_semantics = [#tpu.dimension_semantics<core_parallel>, #tpu.dimension_semantics<subcore_parallel>], iteration_bounds = array<i64: 2, 16>, scalar_prefetch = 0 : i64, scratch_operands = 1 : i64, tpu.core_type = #tpu.core_type<sc_vector_subcore>, window_params = [{transform_indices = #map}, {transform_indices = #map}, {transform_indices = #map}]} {
    %mul3A = arith.constant 800 : i32
    %mul3A_0 = arith.muli %arg0, %mul3A : i32
    %iota3A = tpu.iota {dimensions = array<i32: 0>} : vector<16xi32>
    %jit3A = arith.constant 8 : i32
    %eq3A = arith.constant 0 : i32
    %eq3A_1 = arith.cmpi eq, %jit3A, %eq3A : i32
    %jit3A_2 = arith.constant 1 : i32
    %select_n3A = arith.select %eq3A_1, %jit3A_2, %jit3A : i32
    %rem3A = vector.broadcast %select_n3A : i32 to vector<16xi32>
    %rem3A_3 = arith.remsi %iota3A, %rem3A : vector<16xi32>
    %ne3A = arith.constant 0 : i32
    %ne3A_4 = vector.broadcast %ne3A : i32 to vector<16xi32>
    %ne3A_5 = arith.cmpi ne, %rem3A_3, %ne3A_4 : vector<16xi32>
    %lt3A = arith.constant 0 : i32
    %lt3A_6 = vector.broadcast %lt3A : i32 to vector<16xi32>
    %lt3A_7 = arith.cmpi slt, %rem3A_3, %lt3A_6 : vector<16xi32>
    %lt3A_8 = arith.constant 0 : i32
    %lt3A_9 = arith.cmpi slt, %select_n3A, %lt3A_8 : i32
    %ne3A_10 = vector.broadcast %lt3A_9 : i1 to vector<16xi1>
    %ne3A_11 = vector.broadcast %ne3A_10 : vector<16xi1> to vector<16xi1>
    %ne3A_12 = arith.xori %lt3A_7, %ne3A_11 : vector<16xi1>
    %and3A = arith.andi %ne3A_12, %ne3A_5 : vector<16xi1>
    %add3A = vector.broadcast %select_n3A : i32 to vector<16xi32>
    %add3A_13 = arith.addi %rem3A_3, %add3A : vector<16xi32>
    %select_n3A_14 = arith.select %and3A, %add3A_13, %rem3A_3 : vector<16xi1>, vector<16xi32>
    %mul3A_15 = arith.constant 128 : i32
    %mul3A_16 = vector.broadcast %mul3A_15 : i32 to vector<16xi32>
    %mul3A_17 = arith.muli %select_n3A_14, %mul3A_16 : vector<16xi32>
    %jit3A_18 = arith.constant 8 : i32
    %div3A = vector.broadcast %jit3A_18 : i32 to vector<16xi32>
    %div3A_19 = arith.divsi %iota3A, %div3A : vector<16xi32>
    %sign3A = arith.constant 0 : i32
    %sign3A_20 = vector.broadcast %sign3A : i32 to vector<16xi32>
    %sign3A_21 = arith.cmpi sgt, %iota3A, %sign3A_20 : vector<16xi32>
    %sign3A_22 = arith.extui %sign3A_21 : vector<16xi1> to vector<16xi32>
    %sign3A_23 = arith.constant 0 : i32
    %sign3A_24 = vector.broadcast %sign3A_23 : i32 to vector<16xi32>
    %sign3A_25 = arith.cmpi slt, %iota3A, %sign3A_24 : vector<16xi32>
    %sign3A_26 = arith.extui %sign3A_25 : vector<16xi1> to vector<16xi32>
    %sign3A_27 = arith.subi %sign3A_22, %sign3A_26 : vector<16xi32>
    %sign3A_28 = arith.constant 0 : i32
    %sign3A_29 = arith.cmpi sgt, %jit3A_18, %sign3A_28 : i32
    %sign3A_30 = arith.extui %sign3A_29 : i1 to i32
    %sign3A_31 = arith.constant 0 : i32
    %sign3A_32 = arith.cmpi slt, %jit3A_18, %sign3A_31 : i32
    %sign3A_33 = arith.extui %sign3A_32 : i1 to i32
    %sign3A_34 = arith.subi %sign3A_30, %sign3A_33 : i32
    %ne3A_35 = vector.broadcast %sign3A_34 : i32 to vector<16xi32>
    %ne3A_36 = arith.cmpi ne, %sign3A_27, %ne3A_35 : vector<16xi32>
    %rem3A_37 = vector.broadcast %jit3A_18 : i32 to vector<16xi32>
    %rem3A_38 = arith.remsi %iota3A, %rem3A_37 : vector<16xi32>
    %ne3A_39 = arith.constant 0 : i32
    %ne3A_40 = vector.broadcast %ne3A_39 : i32 to vector<16xi32>
    %ne3A_41 = arith.cmpi ne, %rem3A_38, %ne3A_40 : vector<16xi32>
    %and3A_42 = arith.andi %ne3A_36, %ne3A_41 : vector<16xi1>
    %sub3A = arith.constant 1 : i32
    %sub3A_43 = vector.broadcast %sub3A : i32 to vector<16xi32>
    %sub3A_44 = arith.subi %div3A_19, %sub3A_43 : vector<16xi32>
    %select_n3A_45 = arith.select %and3A_42, %sub3A_44, %div3A_19 : vector<16xi1>, vector<16xi32>
    %add3A_46 = arith.addi %mul3A_17, %select_n3A_45 : vector<16xi32>
    %mul3A_47 = arith.constant 50 : i32
    %mul3A_48 = arith.muli %arg1, %mul3A_47 : i32
    "tpu.region"() ({
      %run_scoped3A = memref.alloca() : memref<2x2x1024xi32, #tpu.memory_space<vmem>>
      %run_scoped3A_49 = tpu.sem_alloc : memref<2x!tpu.dma_semaphore, #tpu.memory_space<semaphore_mem>>
      %run_scoped3A_50 = memref.alloca() : memref<2x2048x16xf32, #tpu.memory_space<vmem>>
      %run_scoped3A_51 = tpu.sem_alloc : memref<2x!tpu.dma_semaphore, #tpu.memory_space<semaphore_mem>>
      %add3A_52 = arith.constant 0 : i32
      %add3A_53 = arith.addi %add3A_52, %mul3A_48 : i32
      %select_n3A_54 = arith.constant true
      %select_n3A_55 = arith.constant 0 : i32
      %select_n3A_56 = arith.constant -1 : i32
      %select_n3A_57 = arith.select %select_n3A_54, %select_n3A_56, %select_n3A_55 : i32
      %eq3A_58 = arith.constant -1 : i32
      %eq3A_59 = arith.cmpi eq, %select_n3A_57, %eq3A_58 : i32
      %select_n3A_60 = arith.constant 49 : i32
      %select_n3A_61 = arith.select %eq3A_59, %select_n3A_60, %select_n3A_57 : i32
      %add3A_62 = arith.addi %select_n3A_61, %mul3A_48 : i32
      %select_n3A_63 = arith.constant true
      %select_n3A_64 = arith.constant 0 : i32
      %select_n3A_65 = arith.constant 1 : i32
      %select_n3A_66 = arith.select %select_n3A_63, %select_n3A_65, %select_n3A_64 : i32
      %eq3A_67 = arith.constant 50 : i32
      %eq3A_68 = arith.cmpi eq, %select_n3A_66, %eq3A_67 : i32
      %select_n3A_69 = arith.constant 0 : i32
      %select_n3A_70 = arith.select %eq3A_68, %select_n3A_69, %select_n3A_66 : i32
      %add3A_71 = arith.addi %select_n3A_70, %mul3A_48 : i32
      %add3A_72 = arith.constant 1 : i32
      %add3A_73 = arith.addi %select_n3A_70, %add3A_72 : i32
      %select_n3A_74 = arith.constant true
      %select_n3A_75 = arith.select %select_n3A_74, %add3A_73, %select_n3A_70 : i32
      %eq3A_76 = arith.constant 50 : i32
      %eq3A_77 = arith.cmpi eq, %select_n3A_75, %eq3A_76 : i32
      %select_n3A_78 = arith.constant 0 : i32
      %select_n3A_79 = arith.select %eq3A_77, %select_n3A_78, %select_n3A_75 : i32
      %add3A_80 = arith.addi %select_n3A_79, %mul3A_48 : i32
      "tpu.trace_start"() <{level = 10 : i32, message = "ep_initialize_0"}> : () -> ()
      %rem3A_81 = arith.constant 0 : i32
      %rem3A_82 = arith.constant 2 : i32
      %rem3A_83 = arith.remui %rem3A_81, %rem3A_82 : i32
      %add3A_84 = arith.addi %mul3A_0, %add3A_53 : i32
      %mul3A_85 = arith.constant 2 : i32
      %mul3A_86 = arith.muli %mul3A_85, %add3A_84 : i32
      %dma_start3A = arith.constant 0 : i32
      %dma_start3A_87 = arith.constant 0 : i32
      %dma_start3A_88 = tpu.memref_slice %run_scoped3A[%rem3A_83, %dma_start3A, %dma_start3A_87] : memref<2x2x1024xi32, #tpu.memory_space<vmem>> -> memref<1x2x1024xi32, #tpu.memory_space<vmem>>
      %dma_start3A_89 = tpu.memref_squeeze %dma_start3A_88 : memref<1x2x1024xi32, #tpu.memory_space<vmem>> -> memref<2x1024xi32, #tpu.memory_space<vmem>>
      %dma_start3A_90 = arith.constant 0 : i32
      %dma_start3A_91 = tpu.memref_slice %arg3[%mul3A_86, %dma_start3A_90] : memref<3200x1024xi32, #tpu.memory_space<hbm>> -> memref<2x1024xi32, #tpu.memory_space<hbm>>
      %dma_start3A_92 = tpu.memref_slice %run_scoped3A_49[%rem3A_83] : memref<2x!tpu.dma_semaphore, #tpu.memory_space<semaphore_mem>> -> memref<1x!tpu.dma_semaphore, #tpu.memory_space<semaphore_mem>>
      %dma_start3A_93 = tpu.memref_squeeze %dma_start3A_92 : memref<1x!tpu.dma_semaphore, #tpu.memory_space<semaphore_mem>> -> memref<!tpu.dma_semaphore, #tpu.memory_space<semaphore_mem>>
      %dma_start3A_94 = arith.constant 0 : i32
      %dma_start3A_95 = arith.constant 0 : i32
      %dma_start3A_96 = tpu.memref_slice %run_scoped3A[%rem3A_83, %dma_start3A_94, %dma_start3A_95] : memref<2x2x1024xi32, #tpu.memory_space<vmem>> -> memref<1x2x1024xi32, #tpu.memory_space<vmem>>
      %dma_start3A_97 = tpu.memref_squeeze %dma_start3A_96 : memref<1x2x1024xi32, #tpu.memory_space<vmem>> -> memref<2x1024xi32, #tpu.memory_space<vmem>>
      %dma_start3A_98 = arith.constant 0 : i32
      %dma_start3A_99 = tpu.memref_slice %arg3[%mul3A_86, %dma_start3A_98] : memref<3200x1024xi32, #tpu.memory_space<hbm>> -> memref<2x1024xi32, #tpu.memory_space<hbm>>
      tpu.enqueue_dma source(%dma_start3A_99 : memref<2x1024xi32, #tpu.memory_space<hbm>>) target(%dma_start3A_97 : memref<2x1024xi32, #tpu.memory_space<vmem>>) target_semaphore(%dma_start3A_93 : memref<!tpu.dma_semaphore, #tpu.memory_space<semaphore_mem>>)
      %add3A_100 = arith.constant 0 : i32
      %add3A_101 = arith.constant 1 : i32
      %add3A_102 = arith.addi %add3A_100, %add3A_101 : i32
      %select_n3A_103 = arith.constant true
      %select_n3A_104 = arith.constant 0 : i32
      %select_n3A_105 = arith.select %select_n3A_103, %add3A_102, %select_n3A_104 : i32
      "tpu.trace_stop"() : () -> ()
      %scan3A = arith.constant 0 : i32
      %scan3A_106 = arith.constant 0 : i32
      %scan3A_107 = arith.constant 0 : i32
      %scan3A_108 = arith.constant 0 : i32
      %scan3A_109 = arith.constant 0 : i32
      %scan3A_110 = arith.constant 50 : i32
      %scan3A_111 = arith.addi %scan3A_109, %scan3A_110 : i32
      %scan3A_112 = arith.constant 1 : i32
      %scan3A_113:5 = scf.for %scan3A_169 = %scan3A_109 to %scan3A_111 step %scan3A_112 iter_args(%scan3A_170 = %select_n3A_105, %scan3A_171 = %scan3A, %scan3A_172 = %scan3A_106, %scan3A_173 = %scan3A_107, %scan3A_174 = %scan3A_108) -> (i32, i32, i32, i32, i32)  : i32 {
        %eq3A_175 = arith.constant 0 : i32
        %eq3A_176 = arith.cmpi eq, %scan3A_169, %eq3A_175 : i32
        %eq3A_177 = arith.constant 49 : i32
        %eq3A_178 = arith.cmpi eq, %scan3A_169, %eq3A_177 : i32
        %add3A_179 = arith.addi %scan3A_174, %mul3A_48 : i32
        %sub3A_180 = arith.constant 1 : i32
        %sub3A_181 = arith.subi %scan3A_174, %sub3A_180 : i32
        %select_n3A_182 = arith.constant true
        %select_n3A_183 = arith.select %select_n3A_182, %sub3A_181, %scan3A_174 : i32
        %eq3A_184 = arith.constant -1 : i32
        %eq3A_185 = arith.cmpi eq, %select_n3A_183, %eq3A_184 : i32
        %select_n3A_186 = arith.constant 49 : i32
        %select_n3A_187 = arith.select %eq3A_185, %select_n3A_186, %select_n3A_183 : i32
        %add3A_188 = arith.addi %select_n3A_187, %mul3A_48 : i32
        %add3A_189 = arith.constant 1 : i32
        %add3A_190 = arith.addi %scan3A_174, %add3A_189 : i32
        %select_n3A_191 = arith.constant true
        %select_n3A_192 = arith.select %select_n3A_191, %add3A_190, %scan3A_174 : i32
        %eq3A_193 = arith.constant 50 : i32
        %eq3A_194 = arith.cmpi eq, %select_n3A_192, %eq3A_193 : i32
        %select_n3A_195 = arith.constant 0 : i32
        %select_n3A_196 = arith.select %eq3A_194, %select_n3A_195, %select_n3A_192 : i32
        %add3A_197 = arith.addi %select_n3A_196, %mul3A_48 : i32
        %add3A_198 = arith.constant 1 : i32
        %add3A_199 = arith.addi %select_n3A_196, %add3A_198 : i32
        %select_n3A_200 = arith.constant true
        %select_n3A_201 = arith.select %select_n3A_200, %add3A_199, %select_n3A_196 : i32
        %eq3A_202 = arith.constant 50 : i32
        %eq3A_203 = arith.cmpi eq, %select_n3A_201, %eq3A_202 : i32
        %select_n3A_204 = arith.constant 0 : i32
        %select_n3A_205 = arith.select %eq3A_203, %select_n3A_204, %select_n3A_201 : i32
        %add3A_206 = arith.addi %select_n3A_205, %mul3A_48 : i32
        %add3A_207 = arith.addi %mul3A_0, %add3A_179 : i32
        %add3A_208 = arith.addi %mul3A_0, %add3A_197 : i32
        %ne3A_209 = arith.cmpi ne, %add3A_207, %add3A_208 : i32
        %or3A = arith.constant false
        %or3A_210 = arith.ori %or3A, %ne3A_209 : i1
        %or3A_211 = arith.constant false
        %or3A_212 = arith.ori %or3A_210, %or3A_211 : i1
        %ge3A = arith.constant 49 : i32
        %ge3A_213 = arith.cmpi sge, %scan3A_169, %ge3A : i32
        %not3A = arith.constant true
        %not3A_214 = arith.xori %ge3A_213, %not3A : i1
        %and3A_215 = arith.andi %or3A_212, %not3A_214 : i1
        %convert_element_type3A = arith.extui %and3A_215 : i1 to i32
        %cond3A = arith.constant 0 : i32
        %cond3A_216 = arith.cmpi ne, %convert_element_type3A, %cond3A : i32
        scf.if %cond3A_216 {
          "tpu.trace_start"() <{level = 10 : i32, message = "ep_copy_in"}> : () -> ()
          %rem3A_347 = arith.constant 2 : i32
          %rem3A_348 = arith.remui %scan3A_170, %rem3A_347 : i32
          %add3A_349 = arith.addi %mul3A_0, %add3A_197 : i32
          %mul3A_350 = arith.constant 2 : i32
          %mul3A_351 = arith.muli %mul3A_350, %add3A_349 : i32
          %dma_start3A_352 = arith.constant 0 : i32
          %dma_start3A_353 = arith.constant 0 : i32
          %dma_start3A_354 = tpu.memref_slice %run_scoped3A[%rem3A_348, %dma_start3A_352, %dma_start3A_353] : memref<2x2x1024xi32, #tpu.memory_space<vmem>> -> memref<1x2x1024xi32, #tpu.memory_space<vmem>>
          %dma_start3A_355 = tpu.memref_squeeze %dma_start3A_354 : memref<1x2x1024xi32, #tpu.memory_space<vmem>> -> memref<2x1024xi32, #tpu.memory_space<vmem>>
          %dma_start3A_356 = arith.constant 0 : i32
          %dma_start3A_357 = tpu.memref_slice %arg3[%mul3A_351, %dma_start3A_356] : memref<3200x1024xi32, #tpu.memory_space<hbm>> -> memref<2x1024xi32, #tpu.memory_space<hbm>>
          %dma_start3A_358 = tpu.memref_slice %run_scoped3A_49[%rem3A_348] : memref<2x!tpu.dma_semaphore, #tpu.memory_space<semaphore_mem>> -> memref<1x!tpu.dma_semaphore, #tpu.memory_space<semaphore_mem>>
          %dma_start3A_359 = tpu.memref_squeeze %dma_start3A_358 : memref<1x!tpu.dma_semaphore, #tpu.memory_space<semaphore_mem>> -> memref<!tpu.dma_semaphore, #tpu.memory_space<semaphore_mem>>
          %dma_start3A_360 = arith.constant 0 : i32
          %dma_start3A_361 = arith.constant 0 : i32
          %dma_start3A_362 = tpu.memref_slice %run_scoped3A[%rem3A_348, %dma_start3A_360, %dma_start3A_361] : memref<2x2x1024xi32, #tpu.memory_space<vmem>> -> memref<1x2x1024xi32, #tpu.memory_space<vmem>>
          %dma_start3A_363 = tpu.memref_squeeze %dma_start3A_362 : memref<1x2x1024xi32, #tpu.memory_space<vmem>> -> memref<2x1024xi32, #tpu.memory_space<vmem>>
          %dma_start3A_364 = arith.constant 0 : i32
          %dma_start3A_365 = tpu.memref_slice %arg3[%mul3A_351, %dma_start3A_364] : memref<3200x1024xi32, #tpu.memory_space<hbm>> -> memref<2x1024xi32, #tpu.memory_space<hbm>>
          tpu.enqueue_dma source(%dma_start3A_365 : memref<2x1024xi32, #tpu.memory_space<hbm>>) target(%dma_start3A_363 : memref<2x1024xi32, #tpu.memory_space<vmem>>) target_semaphore(%dma_start3A_359 : memref<!tpu.dma_semaphore, #tpu.memory_space<semaphore_mem>>)
          "tpu.trace_stop"() : () -> ()
        } else {
        }
        %and3A_217 = arith.constant true
        %and3A_218 = arith.andi %and3A_215, %and3A_217 : i1
        %add3A_219 = arith.constant 1 : i32
        %add3A_220 = arith.addi %scan3A_170, %add3A_219 : i32
        %select_n3A_221 = arith.select %and3A_218, %add3A_220, %scan3A_170 : i32
        %add3A_222 = arith.addi %mul3A_0, %add3A_179 : i32
        %add3A_223 = arith.addi %mul3A_0, %add3A_197 : i32
        %ne3A_224 = arith.cmpi ne, %add3A_222, %add3A_223 : i32
        %or3A_225 = arith.constant false
        %or3A_226 = arith.ori %or3A_225, %ne3A_224 : i1
        %or3A_227 = arith.constant false
        %or3A_228 = arith.ori %or3A_226, %or3A_227 : i1
        %ge3A_229 = arith.constant 49 : i32
        %ge3A_230 = arith.cmpi sge, %scan3A_169, %ge3A_229 : i32
        %not3A_231 = arith.constant true
        %not3A_232 = arith.xori %ge3A_230, %not3A_231 : i1
        %and3A_233 = arith.andi %or3A_228, %not3A_232 : i1
        %add3A_234 = arith.addi %mul3A_0, %add3A_179 : i32
        %add3A_235 = arith.addi %mul3A_0, %add3A_188 : i32
        %ne3A_236 = arith.cmpi ne, %add3A_234, %add3A_235 : i32
        %or3A_237 = arith.constant false
        %or3A_238 = arith.ori %or3A_237, %ne3A_236 : i1
        %or3A_239 = arith.constant false
        %or3A_240 = arith.ori %or3A_238, %or3A_239 : i1
        %or3A_241 = arith.ori %or3A_240, %eq3A_176 : i1
        %convert_element_type3A_242 = arith.extui %or3A_241 : i1 to i32
        %cond3A_243 = arith.constant 0 : i32
        %cond3A_244 = arith.cmpi ne, %convert_element_type3A_242, %cond3A_243 : i32
        scf.if %cond3A_244 {
          "tpu.trace_start"() <{level = 10 : i32, message = "ep_wait_in"}> : () -> ()
          %add3A_347 = arith.addi %mul3A_0, %add3A_179 : i32
          %mul3A_348 = arith.constant 2 : i32
          %mul3A_349 = arith.muli %mul3A_348, %add3A_347 : i32
          %rem3A_350 = arith.constant 2 : i32
          %rem3A_351 = arith.remui %scan3A_171, %rem3A_350 : i32
          %dma_wait3A_352 = arith.constant 0 : i32
          %dma_wait3A_353 = arith.constant 0 : i32
          %dma_wait3A_354 = tpu.memref_slice %run_scoped3A[%rem3A_351, %dma_wait3A_352, %dma_wait3A_353] : memref<2x2x1024xi32, #tpu.memory_space<vmem>> -> memref<1x2x1024xi32, #tpu.memory_space<vmem>>
          %dma_wait3A_355 = tpu.memref_squeeze %dma_wait3A_354 : memref<1x2x1024xi32, #tpu.memory_space<vmem>> -> memref<2x1024xi32, #tpu.memory_space<vmem>>
          %dma_wait3A_356 = arith.constant 0 : i32
          %dma_wait3A_357 = tpu.memref_slice %arg3[%mul3A_349, %dma_wait3A_356] : memref<3200x1024xi32, #tpu.memory_space<hbm>> -> memref<2x1024xi32, #tpu.memory_space<hbm>>
          %dma_wait3A_358 = tpu.memref_slice %run_scoped3A_49[%rem3A_351] : memref<2x!tpu.dma_semaphore, #tpu.memory_space<semaphore_mem>> -> memref<1x!tpu.dma_semaphore, #tpu.memory_space<semaphore_mem>>
          %dma_wait3A_359 = tpu.memref_squeeze %dma_wait3A_358 : memref<1x!tpu.dma_semaphore, #tpu.memory_space<semaphore_mem>> -> memref<!tpu.dma_semaphore, #tpu.memory_space<semaphore_mem>>
          %dma_wait3A_360 = arith.constant 0 : i32
          %dma_wait3A_361 = arith.constant 0 : i32
          %dma_wait3A_362 = tpu.memref_slice %run_scoped3A[%rem3A_351, %dma_wait3A_360, %dma_wait3A_361] : memref<2x2x1024xi32, #tpu.memory_space<vmem>> -> memref<1x2x1024xi32, #tpu.memory_space<vmem>>
          %dma_wait3A_363 = tpu.memref_squeeze %dma_wait3A_362 : memref<1x2x1024xi32, #tpu.memory_space<vmem>> -> memref<2x1024xi32, #tpu.memory_space<vmem>>
          %dma_wait3A_364 = arith.constant 0 : i32
          %dma_wait3A_365 = tpu.memref_slice %arg3[%mul3A_349, %dma_wait3A_364] : memref<3200x1024xi32, #tpu.memory_space<hbm>> -> memref<2x1024xi32, #tpu.memory_space<hbm>>
          tpu.wait_dma2 semaphore(%dma_wait3A_359 : memref<!tpu.dma_semaphore, #tpu.memory_space<semaphore_mem>>) src(%dma_wait3A_365 : memref<2x1024xi32, #tpu.memory_space<hbm>>) dst(%dma_wait3A_363 : memref<2x1024xi32, #tpu.memory_space<vmem>>)
          "tpu.trace_stop"() : () -> ()
        } else {
        }
        %add3A_245 = arith.addi %mul3A_0, %add3A_179 : i32
        %add3A_246 = arith.addi %mul3A_0, %add3A_188 : i32
        %ne3A_247 = arith.cmpi ne, %add3A_245, %add3A_246 : i32
        %or3A_248 = arith.constant false
        %or3A_249 = arith.ori %or3A_248, %ne3A_247 : i1
        %or3A_250 = arith.constant false
        %or3A_251 = arith.ori %or3A_249, %or3A_250 : i1
        %or3A_252 = arith.ori %or3A_251, %eq3A_176 : i1
        %convert_element_type3A_253 = arith.extui %or3A_252 : i1 to i32
        %cond3A_254 = arith.constant 0 : i32
        %cond3A_255 = arith.cmpi ne, %convert_element_type3A_253, %cond3A_254 : i32
        scf.if %cond3A_255 {
        } else {
        }
        %rem3A_256 = arith.constant 2 : i32
        %rem3A_257 = arith.remui %scan3A_171, %rem3A_256 : i32
        %rem3A_258 = arith.constant 2 : i32
        %rem3A_259 = arith.remui %scan3A_172, %rem3A_258 : i32
        "tpu.trace_start"() <{level = 10 : i32, message = "ep_run_kernel"}> : () -> ()
        %scan3A_260 = arith.constant 0 : i32
        %scan3A_261 = arith.constant 0 : i32
        %scan3A_262 = arith.constant 128 : i32
        %scan3A_263 = arith.addi %scan3A_261, %scan3A_262 : i32
        %scan3A_264 = arith.constant 1 : i32
        scf.for %scan3A_347 = %scan3A_261 to %scan3A_263 step %scan3A_264  : i32 {
          %jit3A_348 = arith.constant 64 : i32
          %div3A_349 = arith.divsi %scan3A_347, %jit3A_348 : i32
          %sign3A_350 = arith.constant 0 : i32
          %sign3A_351 = arith.cmpi sgt, %scan3A_347, %sign3A_350 : i32
          %sign3A_352 = arith.extui %sign3A_351 : i1 to i32
          %sign3A_353 = arith.constant 0 : i32
          %sign3A_354 = arith.cmpi slt, %scan3A_347, %sign3A_353 : i32
          %sign3A_355 = arith.extui %sign3A_354 : i1 to i32
          %sign3A_356 = arith.subi %sign3A_352, %sign3A_355 : i32
          %sign3A_357 = arith.constant 0 : i32
          %sign3A_358 = arith.cmpi sgt, %jit3A_348, %sign3A_357 : i32
          %sign3A_359 = arith.extui %sign3A_358 : i1 to i32
          %sign3A_360 = arith.constant 0 : i32
          %sign3A_361 = arith.cmpi slt, %jit3A_348, %sign3A_360 : i32
          %sign3A_362 = arith.extui %sign3A_361 : i1 to i32
          %sign3A_363 = arith.subi %sign3A_359, %sign3A_362 : i32
          %ne3A_364 = arith.cmpi ne, %sign3A_356, %sign3A_363 : i32
          %rem3A_365 = arith.remsi %scan3A_347, %jit3A_348 : i32
          %ne3A_366 = arith.constant 0 : i32
          %ne3A_367 = arith.cmpi ne, %rem3A_365, %ne3A_366 : i32
          %and3A_368 = arith.andi %ne3A_364, %ne3A_367 : i1
          %sub3A_369 = arith.constant 1 : i32
          %sub3A_370 = arith.subi %div3A_349, %sub3A_369 : i32
          %select_n3A_371 = arith.select %and3A_368, %sub3A_370, %div3A_349 : i32
          %jit3A_372 = arith.constant 64 : i32
          %eq3A_373 = arith.constant 0 : i32
          %eq3A_374 = arith.cmpi eq, %jit3A_372, %eq3A_373 : i32
          %jit3A_375 = arith.constant 1 : i32
          %select_n3A_376 = arith.select %eq3A_374, %jit3A_375, %jit3A_372 : i32
          %rem3A_377 = arith.remsi %scan3A_347, %select_n3A_376 : i32
          %ne3A_378 = arith.constant 0 : i32
          %ne3A_379 = arith.cmpi ne, %rem3A_377, %ne3A_378 : i32
          %lt3A_380 = arith.constant 0 : i32
          %lt3A_381 = arith.cmpi slt, %rem3A_377, %lt3A_380 : i32
          %lt3A_382 = arith.constant 0 : i32
          %lt3A_383 = arith.cmpi slt, %select_n3A_376, %lt3A_382 : i32
          %ne3A_384 = arith.xori %lt3A_381, %lt3A_383 : i1
          %and3A_385 = arith.andi %ne3A_384, %ne3A_379 : i1
          %add3A_386 = arith.addi %rem3A_377, %select_n3A_376 : i32
          %select_n3A_387 = arith.select %and3A_385, %add3A_386, %rem3A_377 : i32
          %mul3A_388 = arith.constant 2 : i32
          %mul3A_389 = arith.muli %mul3A_388, %select_n3A_387 : i32
          %add3A_390 = vector.broadcast %mul3A_389 : i32 to vector<16xi32>
          %add3A_391 = arith.addi %add3A_46, %add3A_390 : vector<16xi32>
          %mul3A_392 = arith.constant 0 : i32
          %mul3A_393 = vector.broadcast %mul3A_392 : i32 to vector<16xi32>
          %mul3A_394 = arith.muli %iota3A, %mul3A_393 : vector<16xi32>
          %add3A_395 = vector.broadcast %select_n3A_371 : i32 to vector<16xi32>
          %add3A_396 = arith.addi %mul3A_394, %add3A_395 : vector<16xi32>
          %gather3A = arith.constant 0 : i32
          %gather3A_397 = arith.constant 0 : i32
          %gather3A_398 = tpu.memref_slice %run_scoped3A[%rem3A_257, %gather3A, %gather3A_397] : memref<2x2x1024xi32, #tpu.memory_space<vmem>> -> memref<1x2x1024xi32, #tpu.memory_space<vmem>>
          %gather3A_399 = tpu.memref_squeeze %gather3A_398 : memref<1x2x1024xi32, #tpu.memory_space<vmem>> -> memref<2x1024xi32, #tpu.memory_space<vmem>>
          %gather3A_400 = tpu.vector_load_idx %gather3A_399[%add3A_396, %add3A_391] : memref<2x1024xi32, #tpu.memory_space<vmem>>[vector<16xi32>, vector<16xi32>], vector<16xi32>,
          %mul3A_401 = arith.constant 16 : i32
          %mul3A_402 = arith.muli %scan3A_347, %mul3A_401 : i32
          %swap3A = arith.index_cast %mul3A_402 : i32 to index
          %swap3A_403 = tpu.vector_load %arg5[%swap3A] {strides = array<i32>} : memref<2048xi32, #tpu.memory_space<vmem>>, vector<16xi32>,
          tpu.vector_store %arg5[%swap3A], %gather3A_400 {strides = array<i32>} : memref<2048xi32, #tpu.memory_space<vmem>>, vector<16xi32>,
        }
        %scan3A_265 = arith.constant 128 : i32
        "tpu.region"() ({
          %run_scoped3A_347 = tpu.sem_alloc : memref<!tpu.dma_semaphore, #tpu.memory_space<semaphore_mem>>
          %dma_start3A_348 = arith.constant 0 : i32
          %dma_start3A_349 = arith.constant 0 : i32
          %dma_start3A_350 = tpu.memref_slice %run_scoped3A_50[%rem3A_259, %dma_start3A_348, %dma_start3A_349] : memref<2x2048x16xf32, #tpu.memory_space<vmem>> -> memref<1x2048x16xf32, #tpu.memory_space<vmem>>
          %dma_start3A_351 = tpu.memref_squeeze %dma_start3A_350 : memref<1x2048x16xf32, #tpu.memory_space<vmem>> -> memref<2048x16xf32, #tpu.memory_space<vmem>>
          %dma_start3A_352 = arith.constant 0 : i32
          %dma_start3A_353 = arith.constant 0 : i32
          %dma_start3A_354 = tpu.memref_slice %arg2[%dma_start3A_352, %dma_start3A_353] : memref<1000000x16xf32, #tpu.memory_space<hbm>> -> memref<1000000x16xf32, #tpu.memory_space<hbm>>
          tpu.enqueue_indirect_dma source(%dma_start3A_354 : memref<1000000x16xf32, #tpu.memory_space<hbm>>) target(%dma_start3A_351 : memref<2048x16xf32, #tpu.memory_space<vmem>>) offsets(%arg5 : memref<2048xi32, #tpu.memory_space<vmem>>) semaphore(%run_scoped3A_347 : memref<!tpu.dma_semaphore, #tpu.memory_space<semaphore_mem>>)
          %dma_wait3A_355 = arith.constant 0 : i32
          %dma_wait3A_356 = arith.constant 0 : i32
          %dma_wait3A_357 = tpu.memref_slice %run_scoped3A_50[%rem3A_259, %dma_wait3A_355, %dma_wait3A_356] : memref<2x2048x16xf32, #tpu.memory_space<vmem>> -> memref<1x2048x16xf32, #tpu.memory_space<vmem>>
          %dma_wait3A_358 = tpu.memref_squeeze %dma_wait3A_357 : memref<1x2048x16xf32, #tpu.memory_space<vmem>> -> memref<2048x16xf32, #tpu.memory_space<vmem>>
          %dma_wait3A_359 = arith.constant 0 : i32
          %dma_wait3A_360 = arith.constant 0 : i32
          %dma_wait3A_361 = tpu.memref_slice %arg2[%dma_wait3A_359, %dma_wait3A_360] : memref<1000000x16xf32, #tpu.memory_space<hbm>> -> memref<1000000x16xf32, #tpu.memory_space<hbm>>
          tpu.wait_indirect_dma semaphore(%run_scoped3A_347 : memref<!tpu.dma_semaphore, #tpu.memory_space<semaphore_mem>>) src(%dma_wait3A_361 : memref<1000000x16xf32, #tpu.memory_space<hbm>>) dst(%dma_wait3A_358 : memref<2048x16xf32, #tpu.memory_space<vmem>>)
          tpu.yield
        }) : () -> ()
        "tpu.trace_stop"() : () -> ()
        %add3A_266 = arith.addi %mul3A_0, %add3A_179 : i32
        %add3A_267 = arith.addi %mul3A_0, %add3A_197 : i32
        %ne3A_268 = arith.cmpi ne, %add3A_266, %add3A_267 : i32
        %or3A_269 = arith.constant false
        %or3A_270 = arith.ori %or3A_269, %ne3A_268 : i1
        %or3A_271 = arith.constant false
        %or3A_272 = arith.ori %or3A_270, %or3A_271 : i1
        %or3A_273 = arith.ori %or3A_272, %eq3A_178 : i1
        %convert_element_type3A_274 = arith.extui %or3A_273 : i1 to i32
        %cond3A_275 = arith.constant 0 : i32
        %cond3A_276 = arith.cmpi ne, %convert_element_type3A_274, %cond3A_275 : i32
        scf.if %cond3A_276 {
        } else {
        }
        %and3A_277 = arith.constant false
        %and3A_278 = arith.andi %or3A_273, %and3A_277 : i1
        %add3A_279 = arith.addi %mul3A_0, %add3A_179 : i32
        %add3A_280 = arith.addi %mul3A_0, %add3A_197 : i32
        %ne3A_281 = arith.cmpi ne, %add3A_279, %add3A_280 : i32
        %or3A_282 = arith.constant false
        %or3A_283 = arith.ori %or3A_282, %ne3A_281 : i1
        %or3A_284 = arith.constant false
        %or3A_285 = arith.ori %or3A_283, %or3A_284 : i1
        %or3A_286 = arith.ori %or3A_285, %eq3A_178 : i1
        %convert_element_type3A_287 = arith.extui %or3A_286 : i1 to i32
        %cond3A_288 = arith.constant 0 : i32
        %cond3A_289 = arith.cmpi ne, %convert_element_type3A_287, %cond3A_288 : i32
        scf.if %cond3A_289 {
          "tpu.trace_start"() <{level = 10 : i32, message = "ep_copy_out"}> : () -> ()
          %rem3A_347 = arith.constant 2 : i32
          %rem3A_348 = arith.remui %scan3A_172, %rem3A_347 : i32
          %add3A_349 = arith.addi %mul3A_0, %add3A_179 : i32
          %mul3A_350 = arith.constant 2048 : i32
          %mul3A_351 = arith.muli %mul3A_350, %add3A_349 : i32
          %dma_start3A_352 = arith.constant 0 : i32
          %dma_start3A_353 = arith.constant 0 : i32
          %dma_start3A_354 = tpu.memref_slice %run_scoped3A_50[%rem3A_348, %dma_start3A_352, %dma_start3A_353] : memref<2x2048x16xf32, #tpu.memory_space<vmem>> -> memref<1x2048x16xf32, #tpu.memory_space<vmem>>
          %dma_start3A_355 = tpu.memref_squeeze %dma_start3A_354 : memref<1x2048x16xf32, #tpu.memory_space<vmem>> -> memref<2048x16xf32, #tpu.memory_space<vmem>>
          %dma_start3A_356 = arith.constant 0 : i32
          %dma_start3A_357 = tpu.memref_slice %arg4[%mul3A_351, %dma_start3A_356] : memref<3276800x16xf32, #tpu.memory_space<hbm>> -> memref<2048x16xf32, #tpu.memory_space<hbm>>
          %dma_start3A_358 = tpu.memref_slice %run_scoped3A_51[%rem3A_348] : memref<2x!tpu.dma_semaphore, #tpu.memory_space<semaphore_mem>> -> memref<1x!tpu.dma_semaphore, #tpu.memory_space<semaphore_mem>>
          %dma_start3A_359 = tpu.memref_squeeze %dma_start3A_358 : memref<1x!tpu.dma_semaphore, #tpu.memory_space<semaphore_mem>> -> memref<!tpu.dma_semaphore, #tpu.memory_space<semaphore_mem>>
          %dma_start3A_360 = arith.constant 0 : i32
          %dma_start3A_361 = tpu.memref_slice %arg4[%mul3A_351, %dma_start3A_360] : memref<3276800x16xf32, #tpu.memory_space<hbm>> -> memref<2048x16xf32, #tpu.memory_space<hbm>>
          %dma_start3A_362 = arith.constant 0 : i32
          %dma_start3A_363 = arith.constant 0 : i32
          %dma_start3A_364 = tpu.memref_slice %run_scoped3A_50[%rem3A_348, %dma_start3A_362, %dma_start3A_363] : memref<2x2048x16xf32, #tpu.memory_space<vmem>> -> memref<1x2048x16xf32, #tpu.memory_space<vmem>>
          %dma_start3A_365 = tpu.memref_squeeze %dma_start3A_364 : memref<1x2048x16xf32, #tpu.memory_space<vmem>> -> memref<2048x16xf32, #tpu.memory_space<vmem>>
          tpu.enqueue_dma source(%dma_start3A_365 : memref<2048x16xf32, #tpu.memory_space<vmem>>) target(%dma_start3A_361 : memref<2048x16xf32, #tpu.memory_space<hbm>>) target_semaphore(%dma_start3A_359 : memref<!tpu.dma_semaphore, #tpu.memory_space<semaphore_mem>>)
          "tpu.trace_stop"() : () -> ()
        } else {
        }
        %and3A_290 = arith.constant true
        %and3A_291 = arith.andi %or3A_286, %and3A_290 : i1
        %add3A_292 = arith.constant 1 : i32
        %add3A_293 = arith.addi %scan3A_172, %add3A_292 : i32
        %select_n3A_294 = arith.select %and3A_291, %add3A_293, %scan3A_172 : i32
        %add3A_295 = arith.addi %mul3A_0, %add3A_179 : i32
        %add3A_296 = arith.addi %mul3A_0, %add3A_188 : i32
        %ne3A_297 = arith.cmpi ne, %add3A_295, %add3A_296 : i32
        %or3A_298 = arith.constant false
        %or3A_299 = arith.ori %or3A_298, %ne3A_297 : i1
        %or3A_300 = arith.constant false
        %or3A_301 = arith.ori %or3A_299, %or3A_300 : i1
        %not3A_302 = arith.constant true
        %not3A_303 = arith.xori %eq3A_176, %not3A_302 : i1
        %and3A_304 = arith.andi %or3A_301, %not3A_303 : i1
        %convert_element_type3A_305 = arith.extui %and3A_304 : i1 to i32
        %cond3A_306 = arith.constant 0 : i32
        %cond3A_307 = arith.cmpi ne, %convert_element_type3A_305, %cond3A_306 : i32
        scf.if %cond3A_307 {
        } else {
        }
        %and3A_308 = arith.constant false
        %and3A_309 = arith.andi %and3A_304, %and3A_308 : i1
        %add3A_310 = arith.addi %mul3A_0, %add3A_179 : i32
        %add3A_311 = arith.addi %mul3A_0, %add3A_188 : i32
        %ne3A_312 = arith.cmpi ne, %add3A_310, %add3A_311 : i32
        %or3A_313 = arith.constant false
        %or3A_314 = arith.ori %or3A_313, %ne3A_312 : i1
        %or3A_315 = arith.constant false
        %or3A_316 = arith.ori %or3A_314, %or3A_315 : i1
        %not3A_317 = arith.constant true
        %not3A_318 = arith.xori %eq3A_176, %not3A_317 : i1
        %and3A_319 = arith.andi %or3A_316, %not3A_318 : i1
        %convert_element_type3A_320 = arith.extui %and3A_319 : i1 to i32
        %cond3A_321 = arith.constant 0 : i32
        %cond3A_322 = arith.cmpi ne, %convert_element_type3A_320, %cond3A_321 : i32
        scf.if %cond3A_322 {
          "tpu.trace_start"() <{level = 10 : i32, message = "ep_wait_out"}> : () -> ()
          %rem3A_347 = arith.constant 2 : i32
          %rem3A_348 = arith.remui %scan3A_173, %rem3A_347 : i32
          %add3A_349 = arith.addi %mul3A_0, %add3A_188 : i32
          %mul3A_350 = arith.constant 2048 : i32
          %mul3A_351 = arith.muli %mul3A_350, %add3A_349 : i32
          %dma_wait3A_352 = arith.constant 0 : i32
          %dma_wait3A_353 = arith.constant 0 : i32
          %dma_wait3A_354 = tpu.memref_slice %run_scoped3A_50[%rem3A_348, %dma_wait3A_352, %dma_wait3A_353] : memref<2x2048x16xf32, #tpu.memory_space<vmem>> -> memref<1x2048x16xf32, #tpu.memory_space<vmem>>
          %dma_wait3A_355 = tpu.memref_squeeze %dma_wait3A_354 : memref<1x2048x16xf32, #tpu.memory_space<vmem>> -> memref<2048x16xf32, #tpu.memory_space<vmem>>
          %dma_wait3A_356 = arith.constant 0 : i32
          %dma_wait3A_357 = tpu.memref_slice %arg4[%mul3A_351, %dma_wait3A_356] : memref<3276800x16xf32, #tpu.memory_space<hbm>> -> memref<2048x16xf32, #tpu.memory_space<hbm>>
          %dma_wait3A_358 = tpu.memref_slice %run_scoped3A_51[%rem3A_348] : memref<2x!tpu.dma_semaphore, #tpu.memory_space<semaphore_mem>> -> memref<1x!tpu.dma_semaphore, #tpu.memory_space<semaphore_mem>>
          %dma_wait3A_359 = tpu.memref_squeeze %dma_wait3A_358 : memref<1x!tpu.dma_semaphore, #tpu.memory_space<semaphore_mem>> -> memref<!tpu.dma_semaphore, #tpu.memory_space<semaphore_mem>>
          %dma_wait3A_360 = arith.constant 0 : i32
          %dma_wait3A_361 = tpu.memref_slice %arg4[%mul3A_351, %dma_wait3A_360] : memref<3276800x16xf32, #tpu.memory_space<hbm>> -> memref<2048x16xf32, #tpu.memory_space<hbm>>
          %dma_wait3A_362 = arith.constant 0 : i32
          %dma_wait3A_363 = arith.constant 0 : i32
          %dma_wait3A_364 = tpu.memref_slice %run_scoped3A_50[%rem3A_348, %dma_wait3A_362, %dma_wait3A_363] : memref<2x2048x16xf32, #tpu.memory_space<vmem>> -> memref<1x2048x16xf32, #tpu.memory_space<vmem>>
          %dma_wait3A_365 = tpu.memref_squeeze %dma_wait3A_364 : memref<1x2048x16xf32, #tpu.memory_space<vmem>> -> memref<2048x16xf32, #tpu.memory_space<vmem>>
          tpu.wait_dma2 semaphore(%dma_wait3A_359 : memref<!tpu.dma_semaphore, #tpu.memory_space<semaphore_mem>>) src(%dma_wait3A_365 : memref<2048x16xf32, #tpu.memory_space<vmem>>) dst(%dma_wait3A_361 : memref<2048x16xf32, #tpu.memory_space<hbm>>)
          "tpu.trace_stop"() : () -> ()
        } else {
        }
        %and3A_323 = arith.constant true
        %and3A_324 = arith.andi %and3A_319, %and3A_323 : i1
        %add3A_325 = arith.constant 1 : i32
        %add3A_326 = arith.addi %scan3A_173, %add3A_325 : i32
        %select_n3A_327 = arith.select %and3A_324, %add3A_326, %scan3A_173 : i32
        %add3A_328 = arith.addi %mul3A_0, %add3A_179 : i32
        %add3A_329 = arith.addi %mul3A_0, %add3A_197 : i32
        %ne3A_330 = arith.cmpi ne, %add3A_328, %add3A_329 : i32
        %or3A_331 = arith.constant false
        %or3A_332 = arith.ori %or3A_331, %ne3A_330 : i1
        %or3A_333 = arith.constant false
        %or3A_334 = arith.ori %or3A_332, %or3A_333 : i1
        %or3A_335 = arith.ori %or3A_334, %eq3A_178 : i1
        %add3A_336 = arith.constant 1 : i32
        %add3A_337 = arith.addi %scan3A_171, %add3A_336 : i32
        %select_n3A_338 = arith.select %or3A_335, %add3A_337, %scan3A_171 : i32
        %add3A_339 = arith.constant 1 : i32
        %add3A_340 = arith.addi %scan3A_174, %add3A_339 : i32
        %select_n3A_341 = arith.constant true
        %select_n3A_342 = arith.select %select_n3A_341, %add3A_340, %scan3A_174 : i32
        %eq3A_343 = arith.constant 50 : i32
        %eq3A_344 = arith.cmpi eq, %select_n3A_342, %eq3A_343 : i32
        %select_n3A_345 = arith.constant 0 : i32
        %select_n3A_346 = arith.select %eq3A_344, %select_n3A_345, %select_n3A_342 : i32
        scf.yield %select_n3A_221, %select_n3A_338, %select_n3A_294, %select_n3A_327, %select_n3A_346 : i32, i32, i32, i32, i32
      }
      %scan3A_114 = arith.constant 50 : i32
      %sub3A_115 = arith.constant 1 : i32
      %sub3A_116 = arith.subi %scan3A_113#4, %sub3A_115 : i32
      %select_n3A_117 = arith.constant true
      %select_n3A_118 = arith.select %select_n3A_117, %sub3A_116, %scan3A_113#4 : i32
      %eq3A_119 = arith.constant -1 : i32
      %eq3A_120 = arith.cmpi eq, %select_n3A_118, %eq3A_119 : i32
      %select_n3A_121 = arith.constant 49 : i32
      %select_n3A_122 = arith.select %eq3A_120, %select_n3A_121, %select_n3A_118 : i32
      %add3A_123 = arith.addi %select_n3A_122, %mul3A_48 : i32
      %sub3A_124 = arith.constant 1 : i32
      %sub3A_125 = arith.subi %select_n3A_122, %sub3A_124 : i32
      %select_n3A_126 = arith.constant true
      %select_n3A_127 = arith.select %select_n3A_126, %sub3A_125, %select_n3A_122 : i32
      %eq3A_128 = arith.constant -1 : i32
      %eq3A_129 = arith.cmpi eq, %select_n3A_127, %eq3A_128 : i32
      %select_n3A_130 = arith.constant 49 : i32
      %select_n3A_131 = arith.select %eq3A_129, %select_n3A_130, %select_n3A_127 : i32
      %add3A_132 = arith.addi %select_n3A_131, %mul3A_48 : i32
      %add3A_133 = arith.constant 1 : i32
      %add3A_134 = arith.addi %select_n3A_122, %add3A_133 : i32
      %select_n3A_135 = arith.constant true
      %select_n3A_136 = arith.select %select_n3A_135, %add3A_134, %select_n3A_122 : i32
      %eq3A_137 = arith.constant 50 : i32
      %eq3A_138 = arith.cmpi eq, %select_n3A_136, %eq3A_137 : i32
      %select_n3A_139 = arith.constant 0 : i32
      %select_n3A_140 = arith.select %eq3A_138, %select_n3A_139, %select_n3A_136 : i32
      %add3A_141 = arith.addi %select_n3A_140, %mul3A_48 : i32
      %add3A_142 = arith.constant 1 : i32
      %add3A_143 = arith.addi %select_n3A_140, %add3A_142 : i32
      %select_n3A_144 = arith.constant true
      %select_n3A_145 = arith.select %select_n3A_144, %add3A_143, %select_n3A_140 : i32
      %eq3A_146 = arith.constant 50 : i32
      %eq3A_147 = arith.cmpi eq, %select_n3A_145, %eq3A_146 : i32
      %select_n3A_148 = arith.constant 0 : i32
      %select_n3A_149 = arith.select %eq3A_147, %select_n3A_148, %select_n3A_145 : i32
      %add3A_150 = arith.addi %select_n3A_149, %mul3A_48 : i32
      "tpu.trace_start"() <{level = 10 : i32, message = "ep_finalize"}> : () -> ()
      %rem3A_151 = arith.constant 2 : i32
      %rem3A_152 = arith.remui %scan3A_113#3, %rem3A_151 : i32
      %add3A_153 = arith.addi %mul3A_0, %add3A_123 : i32
      %mul3A_154 = arith.constant 2048 : i32
      %mul3A_155 = arith.muli %mul3A_154, %add3A_153 : i32
      %dma_wait3A = arith.constant 0 : i32
      %dma_wait3A_156 = arith.constant 0 : i32
      %dma_wait3A_157 = tpu.memref_slice %run_scoped3A_50[%rem3A_152, %dma_wait3A, %dma_wait3A_156] : memref<2x2048x16xf32, #tpu.memory_space<vmem>> -> memref<1x2048x16xf32, #tpu.memory_space<vmem>>
      %dma_wait3A_158 = tpu.memref_squeeze %dma_wait3A_157 : memref<1x2048x16xf32, #tpu.memory_space<vmem>> -> memref<2048x16xf32, #tpu.memory_space<vmem>>
      %dma_wait3A_159 = arith.constant 0 : i32
      %dma_wait3A_160 = tpu.memref_slice %arg4[%mul3A_155, %dma_wait3A_159] : memref<3276800x16xf32, #tpu.memory_space<hbm>> -> memref<2048x16xf32, #tpu.memory_space<hbm>>
      %dma_wait3A_161 = tpu.memref_slice %run_scoped3A_51[%rem3A_152] : memref<2x!tpu.dma_semaphore, #tpu.memory_space<semaphore_mem>> -> memref<1x!tpu.dma_semaphore, #tpu.memory_space<semaphore_mem>>
      %dma_wait3A_162 = tpu.memref_squeeze %dma_wait3A_161 : memref<1x!tpu.dma_semaphore, #tpu.memory_space<semaphore_mem>> -> memref<!tpu.dma_semaphore, #tpu.memory_space<semaphore_mem>>
      %dma_wait3A_163 = arith.constant 0 : i32
      %dma_wait3A_164 = tpu.memref_slice %arg4[%mul3A_155, %dma_wait3A_163] : memref<3276800x16xf32, #tpu.memory_space<hbm>> -> memref<2048x16xf32, #tpu.memory_space<hbm>>
      %dma_wait3A_165 = arith.constant 0 : i32
      %dma_wait3A_166 = arith.constant 0 : i32
      %dma_wait3A_167 = tpu.memref_slice %run_scoped3A_50[%rem3A_152, %dma_wait3A_165, %dma_wait3A_166] : memref<2x2048x16xf32, #tpu.memory_space<vmem>> -> memref<1x2048x16xf32, #tpu.memory_space<vmem>>
      %dma_wait3A_168 = tpu.memref_squeeze %dma_wait3A_167 : memref<1x2048x16xf32, #tpu.memory_space<vmem>> -> memref<2048x16xf32, #tpu.memory_space<vmem>>
      tpu.wait_dma2 semaphore(%dma_wait3A_162 : memref<!tpu.dma_semaphore, #tpu.memory_space<semaphore_mem>>) src(%dma_wait3A_168 : memref<2048x16xf32, #tpu.memory_space<vmem>>) dst(%dma_wait3A_164 : memref<2048x16xf32, #tpu.memory_space<hbm>>)
      "tpu.trace_stop"() : () -> ()
      tpu.yield
    }) : () -> ()
    return
  }
}

module attributes {stable_mosaic.version = 14 : i64} {
  func.func @body(%arg0: i32, %arg1: memref<16384x128xf32, #tpu.memory_space<vmem>>, %arg2: memref<8x2x128x8x128xf32, #tpu.memory_space<vmem>>) attributes {dimension_semantics = [#tpu.dimension_semantics<arbitrary>], iteration_bounds = array<i64: 25>, scalar_prefetch = 0 : i64, scratch_operands = 0 : i64, tpu.core_type = #tpu.core_type<tc>, window_params = [{transform_indices = @transform_0, window_bounds = array<i64: 16384, 128>}, {transform_indices = @transform_1, window_bounds = array<i64: 8, 2, 128, 8, 128>}]} {
    %get3A = arith.constant 0 : index
    %get3A_0 = arith.constant 0 : index
    %get3A_1 = vector.load %arg1[%get3A, %get3A_0] : memref<16384x128xf32, #tpu.memory_space<vmem>>, vector<16384x128xf32>
    %reshape3A = vector.shape_cast %get3A_1 : vector<16384x128xf32> to vector<128x128x128xf32>
    %transpose3A = tpu.transpose %reshape3A, [0, 2, 1] : vector<128x128x128xf32> -> vector<128x128x128xf32>
    %reshape3A_2 = vector.shape_cast %transpose3A : vector<128x128x128xf32> to vector<128x8x2x8x128xf32>
    %transpose3A_3 = tpu.transpose %reshape3A_2, [1, 2, 0, 3, 4] : vector<128x8x2x8x128xf32> -> vector<8x2x128x8x128xf32>
    %swap3A = arith.constant 0 : index
    %swap3A_4 = arith.constant 0 : index
    %swap3A_5 = arith.constant 0 : index
    %swap3A_6 = arith.constant 0 : index
    %swap3A_7 = arith.constant 0 : index
    %swap3A_8 = vector.load %arg2[%swap3A, %swap3A_4, %swap3A_5, %swap3A_6, %swap3A_7] : memref<8x2x128x8x128xf32, #tpu.memory_space<vmem>>, vector<8x2x128x8x128xf32>
    tpu.vector_store %arg2[%swap3A, %swap3A_4, %swap3A_5, %swap3A_6, %swap3A_7], %transpose3A_3 {strides = array<i32>} : memref<8x2x128x8x128xf32, #tpu.memory_space<vmem>>, vector<8x2x128x8x128xf32>,
    return
  }
  func.func @transform_0(%arg0: i32) -> (i32, i32) {
    %c0_i32 = arith.constant 0 : i32
    %c0_i32_0 = arith.constant 0 : i32
    return %arg0, %c0_i32 : i32, i32
  }
  func.func @transform_1(%arg0: i32) -> (i32, i32, i32, i32, i32) {
    %jit3A = arith.constant 1 : i32
    %div3A = arith.divsi %arg0, %jit3A : i32
    %sign3A = arith.constant 0 : i32
    %sign3A_0 = arith.cmpi sgt, %arg0, %sign3A : i32
    %sign3A_1 = arith.extui %sign3A_0 : i1 to i32
    %sign3A_2 = arith.constant 0 : i32
    %sign3A_3 = arith.cmpi slt, %arg0, %sign3A_2 : i32
    %sign3A_4 = arith.extui %sign3A_3 : i1 to i32
    %sign3A_5 = arith.subi %sign3A_1, %sign3A_4 : i32
    %sign3A_6 = arith.constant 0 : i32
    %sign3A_7 = arith.cmpi sgt, %jit3A, %sign3A_6 : i32
    %sign3A_8 = arith.extui %sign3A_7 : i1 to i32
    %sign3A_9 = arith.constant 0 : i32
    %sign3A_10 = arith.cmpi slt, %jit3A, %sign3A_9 : i32
    %sign3A_11 = arith.extui %sign3A_10 : i1 to i32
    %sign3A_12 = arith.subi %sign3A_8, %sign3A_11 : i32
    %ne3A = arith.cmpi ne, %sign3A_5, %sign3A_12 : i32
    %rem3A = arith.remsi %arg0, %jit3A : i32
    %ne3A_13 = arith.constant 0 : i32
    %ne3A_14 = arith.cmpi ne, %rem3A, %ne3A_13 : i32
    %and3A = arith.andi %ne3A, %ne3A_14 : i1
    %sub3A = arith.constant 1 : i32
    %sub3A_15 = arith.subi %div3A, %sub3A : i32
    %select_n3A = arith.select %and3A, %sub3A_15, %div3A : i32
    %jit3A_16 = arith.constant 1 : i32
    %eq3A = arith.constant 0 : i32
    %eq3A_17 = arith.cmpi eq, %jit3A_16, %eq3A : i32
    %jit3A_18 = arith.constant 1 : i32
    %select_n3A_19 = arith.select %eq3A_17, %jit3A_18, %jit3A_16 : i32
    %rem3A_20 = arith.remsi %arg0, %select_n3A_19 : i32
    %ne3A_21 = arith.constant 0 : i32
    %ne3A_22 = arith.cmpi ne, %rem3A_20, %ne3A_21 : i32
    %lt3A = arith.constant 0 : i32
    %lt3A_23 = arith.cmpi slt, %rem3A_20, %lt3A : i32
    %lt3A_24 = arith.constant 0 : i32
    %lt3A_25 = arith.cmpi slt, %select_n3A_19, %lt3A_24 : i32
    %ne3A_26 = arith.xori %lt3A_23, %lt3A_25 : i1
    %and3A_27 = arith.andi %ne3A_26, %ne3A_22 : i1
    %add3A = arith.addi %rem3A_20, %select_n3A_19 : i32
    %select_n3A_28 = arith.select %and3A_27, %add3A, %rem3A_20 : i32
    %c0_i32 = arith.constant 0 : i32
    %c0_i32_29 = arith.constant 0 : i32
    %c0_i32_30 = arith.constant 0 : i32
    %c0_i32_31 = arith.constant 0 : i32
    return %select_n3A, %c0_i32, %select_n3A_28, %c0_i32_29, %c0_i32_30 : i32, i32, i32, i32, i32
  }
}

</mosaic_0001>

<sc_bundles>
// kernel: kernel.4.cloned.1.call-start
scs
__scs_entry_jumppad:
0x0: {  	(pc) =	sbr.rel $0x88, $3  }
0x1: {  	(tag) =	ssettag $0x0;
	lr =	simm.s32 $0x1  }
0x2: {  	[smem:$0x3F9F] =	sst lr;
	_ =	strace $0xD0000000  }
0x3: {  	_ = 	snop  }
0x4: {  	_ = 	snop  }
0x5: {  	_ = 	snop  }
0x6: {  	_ = 	snop  }
0x7: {  	_ = 	snop  }
__scs_overlays_trampoline_lowered:
0x8: {  	[smem:$0x3FAE] =	sst s0  }
0x9: {  	[smem:$0x3FAF] =	sst s1  }
0xa: {  	[smem:$0x3FB0] =	sst s2  }
0xb: {  	[smem:$0x3FB1] =	sst s3  }
0xc: {  	[smem:$0x3FB2] =	sst s4  }
0xd: {  	[smem:$0x3FB3] =	sst s5  }
0xe: {  	[smem:$0x3FB4] =	sst s6  }
0xf: {  	[smem:$0x3FB5] =	sst s7  }
0x10: {  	[smem:$0x3FB6] =	sst s8  }
0x11: {  	[smem:$0x3FB7] =	sst s9;
	s0 =	simm.s32 @!p0 $0x0  }
0x12: {  	s1 =	sld [smem:$0x3F9D];
	s0 =	simm.s32 @p0 $0x1  }
0x13: {  	[smem:$0x3FB8] =	sst s0;
	s0 =	simm.s32 @!p1 $0x0  }
0x14: {  	s2 =	sld [smem:$0x3F9C];
	s0 =	simm.s32 @p1 $0x1  }
0x15: {  	[smem:$0x3FB9] =	sst s0;
	s0 =	simm.s32 @!p2 $0x0  }
0x16: {  	s3 =	sld [smem:$0x3FDB];
	s0 =	simm.s32 @p2 $0x1  }
0x17: {  	s4 =	simm.s32 $0x1BF5;
	[smem:$0x3FBB] =	sst s0  }
0x18: {  	s0 =	sld [smem:$0x3F9E];
	_ =	swait.ge [sflag:s4], $0x0  }
0x19: {  	s7 =	sld [smem:$0x3F9F]  }
0x1a: {  	s8 =	sadd.s32 $0xFFFFE003, lr  }
0x1b: {  	s9 =	sadd.s32 $0xFFFFFEF7, lr;
	s5 =	simm.s32 $0xFFFFFFFF;
	p2 =	slt.u32 s8, $0xFFFFF086  }
0x1c: {  	p1 =	slt.u32 s9, $0xF7A;
	s5 =	simm.s32 @!p2 $0x0  }
0x1d: {  	s5 =	simm.s32 @p1 $0x1;
	p0 =	seq.s32 s7, s2  }
0x1e: {  	s7 =	smul.u32 @!p0 $0xF7A, s2;
	p2 =	seq.s32 @!p0 s5, $0x0  }
0x1f: {  	s9 =	smul.u32 $0xF7A, s1;
	s8 =	simm.s32 @!p0 $0x1BF5;
	p2 =	por !p2, p0  }
0x20: {  	[sflag:s8] =	ssyncset.s32 @!p0 $0xFFFFF086;
	s6 =	sadd.s32 @!p0 s3, s7;
	s7 =	simm.s32 @!p0 $0x108  }
0x21: {  	s3 =	sadd.s32 s3, s9;
	s6 =	sadd.s32 @!p0 $0x88, s6;
	s7 =	simm.s32 @p2 $0x1082  }
0x22: {  	[simem:s7], [sflag:s8] =	dma.local @!p0 [hbm:s6], $0xF7A  }
0x23: {  	s9 =	sor.u32 $0xD0000000, s2;
	s6 =	simm.s32 $0x108;
	_ =	swait.ge @!p0 [sflag:s8], $0x0  }
0x24: {  	s3 =	sadd.s32 $0x88, s3;
	s6 =	simm.s32 @!p1 $0x1082;
	[sflag:s4] =	ssyncset.s32 $0xFFFFF086  }
0x25: {  	[simem:s6], [sflag:s4] =	dma.local [hbm:s3], $0xF7A  }
0x26: {  	[smem:$0x3F9F] =	sst s1;
	(tag) =	ssettag s2;
	_ =	strace s9  }
0x27: {  	s1 =	sld [smem:$0x3FAF]  }
0x28: {  	s2 =	sld [smem:$0x3FB0]  }
0x29: {  	s4 =	sld [smem:$0x3FB2]  }
0x2a: {  	p0 =	seq.s32 s5, $0x0;
	s5 =	sld [smem:$0x3FB3]  }
0x2b: {  	s6 =	sld [smem:$0x3FB4]  }
0x2c: {  	s7 =	sld [smem:$0x3FB5]  }
0x2d: {  	s3 =	simm.s32 $0x108;
	s8 =	sld [smem:$0x3FB6]  }
0x2e: {  	s3 =	simm.s32 @!p0 $0x1082;
	s9 =	sld [smem:$0x3FB7]  }
0x2f: {  	lr =	sadd.s32 s0, s3;
	s0 =	sld [smem:$0x3FAE]  }
0x30: {  	s3 =	sld [smem:$0x3FB1]  }
0x31: {  	[smem:$0x3FBA] =	sst s10  }
0x32: {  	s10 =	sld [smem:$0x3FB8];
	_ =	sdelay $0x3  }
0x33: {  	p0 =	seq.s32 s10, $0x1;
	s10 =	sld [smem:$0x3FBA];
	_ =	sdelay $0x3  }
0x34: {  	[smem:$0x3FBA] =	sst s10  }
0x35: {  	s10 =	sld [smem:$0x3FB9];
	_ =	sdelay $0x3  }
0x36: {  	p1 =	seq.s32 s10, $0x1;
	s10 =	sld [smem:$0x3FBA];
	_ =	sdelay $0x3  }
0x37: {  	[smem:$0x3FBA] =	sst s10  }
0x38: {  	s10 =	sld [smem:$0x3FBB]  }
0x39: {  	_ = 	snop;
	(pc) =	sbr.ind lr, $3  }
0x3a: {  	_ = 	snop  }
0x3b: {  	_ = 	snop  }
0x3c: {  	p2 =	seq.s32 s10, $0x1;
	s10 =	sld [smem:$0x3FBA]  }
0x3d: {  	_ =	shalt  }
0x3e: {  	_ =	shalt  }
0x3f: {  	_ =	shalt  }
0x40: {  	_ =	shalt  }
0x41: {  	_ =	shalt  }
0x42: {  	_ =	shalt  }
0x43: {  	_ =	shalt  }
0x44: {  	_ =	shalt  }
0x45: {  	_ =	shalt  }
0x46: {  	_ =	shalt  }
0x47: {  	_ =	shalt  }
0x48: {  	_ =	shalt  }
0x49: {  	_ =	shalt  }
0x4a: {  	_ =	shalt  }
0x4b: {  	_ =	shalt  }
0x4c: {  	_ =	shalt  }
0x4d: {  	_ =	shalt  }
0x4e: {  	_ =	shalt  }
0x4f: {  	_ =	shalt  }
0x50: {  	_ =	shalt  }
0x51: {  	_ =	shalt  }
0x52: {  	_ =	shalt  }
0x53: {  	_ =	shalt  }
0x54: {  	_ =	shalt  }
0x55: {  	_ =	shalt  }
0x56: {  	_ =	shalt  }
0x57: {  	_ =	shalt  }
0x58: {  	_ =	shalt  }
0x59: {  	_ =	shalt  }
0x5a: {  	_ =	shalt  }
0x5b: {  	_ =	shalt  }
0x5c: {  	_ =	shalt  }
0x5d: {  	_ =	shalt  }
0x5e: {  	_ =	shalt  }
0x5f: {  	_ =	shalt  }
0x60: {  	_ =	shalt  }
0x61: {  	_ =	shalt  }
0x62: {  	_ =	shalt  }
0x63: {  	_ =	shalt  }
0x64: {  	_ =	shalt  }
0x65: {  	_ =	shalt  }
0x66: {  	_ =	shalt  }
0x67: {  	_ =	shalt  }
0x68: {  	_ =	shalt  }
0x69: {  	_ =	shalt  }
0x6a: {  	_ =	shalt  }
0x6b: {  	_ =	shalt  }
0x6c: {  	_ =	shalt  }
0x6d: {  	_ =	shalt  }
0x6e: {  	_ =	shalt  }
0x6f: {  	_ =	shalt  }
0x70: {  	_ =	shalt  }
0x71: {  	_ =	shalt  }
0x72: {  	_ =	shalt  }
0x73: {  	_ =	shalt  }
0x74: {  	_ =	shalt  }
0x75: {  	_ =	shalt  }
0x76: {  	_ =	shalt  }
0x77: {  	_ =	shalt  }
0x78: {  	_ =	shalt  }
0x79: {  	_ =	shalt  }
0x7a: {  	_ =	shalt  }
0x7b: {  	_ =	shalt  }
0x7c: {  	_ =	shalt  }
0x7d: {  	_ =	shalt  }
0x7e: {  	_ =	shalt  }
0x7f: {  	_ =	shalt  }
0x80: {  	_ =	shalt  }
0x81: {  	_ =	shalt  }
0x82: {  	_ =	shalt  }
0x83: {  	_ =	shalt  }
0x84: {  	_ =	shalt  }
0x85: {  	_ =	shalt  }
0x86: {  	_ =	shalt  }
0x87: {  	_ =	shalt  }
.Lfunc_end0:
.L_simem_size_0:
called_computation_lowered:
.L_overlay_start_0:
0x88: {  	s2 =	sld [smem:$0x3FD9]  }
0x89: {  	s3 =	sld [smem:$0x3FFE];
	_ =	sdelay $0x1  }
0x8a: {  	s1 =	srdreg.scid  }
0x8b: {  	s0 =	sand.u32 $0x1, s1  }
0x8c: {  	s17 =	sshll.u32 s0, $0xA;
	s2 =	sadd.s32 s3, s2  }
0x8d: {  	s2 =	sadd.s32 s2, s17  }
0x8e: {  	[smem:$0x3FC6] =	sst s2  }
0x8f: {  	_ = 	snop  }
0x90: {  	s2 =	sld [smem:$0x3FC9]  }
0x91: {  	s18 =	sld [smem:$0x3FD0];
	(tm) =	ssettm $0x1  }
0x92: {  	s4 =	sld [smem:$0x3FFB];
	_ =	sdelay $0x3  }
0x93: {  	_ =	strace s4  }
0x94: {  	s4 =	sld [smem:$0x3FFC];
	_ =	sdelay $0x3  }
0x95: {  	_ =	strace s4  }
0x96: {  	s4 =	sld [smem:$0x3FFD];
	_ =	sdelay $0x3  }
0x97: {  	_ =	strace s4  }
0x98: {  	_ =	strace $0x8FFFFFFF  }
0x99: {  	s19 =	sld [smem:$0x3FDB];
	_ =	sdelay $0x1  }
0x9a: {  	s5 =	simm.s32 $_scs_section_size  }
0x9b: {  	s6 =	simm.s32 $_size__tile_overlayer_lowered;
	s7 =	simm.s32 $_tile_overlayer_lowered  }
0x9c: {  	s22 =	simm.s32 $0x1BFF;
	s21 =	sshll.u32 s7, $0x1;
	s4 =	sadd.s32 s5, s19  }
0x9d: {  	s8 =	simm.s32 $0x0;
	s20 =	sshll.u32 s6, $0x1;
	s6 =	sadd.s32 s21, s4  }
0x9e: {  	[timem:s8], [sflag:s22] =	dma.local [hbm:s6], s20  }
0x9f: {  	_ =	swait.ge [sflag:s22], s20  }
0xa0: {  	s5 =	ssub.s32 $0x0, s20;
	[sflag:s22] =	ssyncset.done $0x0  }
0xa1: {  	[sflag:s22] =	ssyncadd.s32 s5;
	_ =	sdelay $0x1  }
0xa2: {  	s23 =	simm.s32 $0x1B8B  }
0xa3: {  	_ =	swait.ge [sflag:s23], $0x1  }
0xa4: {  	[sflag:s23] =	ssyncset.done $0x0  }
0xa5: {  	s25 =	simm.s32 $0x1B8E;
	s24 =	sld [smem:$0x3FFE];
	[sflag:s23] =	ssyncadd.s32 $0xFFFFFFFF  }
0xa6: {  	s26 =	simm.s32 $execute0_lowered;
	[smem:$0x3FD2] =	sst s25  }
0xa7: {  	s6 =	sshll.u32 s26, $0x1;
	_ =	strace $0x80000046;
	[dreg:$0x1] =	wrdreg $0xFFFFFFFF  }
0xa8: {  	s28 =	simm.s32 $_size_execute0_lowered;
	s4 =	sadd.s32 s4, s6;
	[dreg:$0x0] =	wrdreg $0x0  }
0xa9: {  	s6 =	sshll.u32 s28, $0x1;
	[dreg:$0x2] =	wrdreg s4  }
0xaa: {  	[dreg:$0x3] =	wrdreg s6  }
0xab: {  	[dreg:$0x4] =	wrdreg $0xC0  }
0xac: {  	_ =	task [dreg:s8], $0x5FFFF  }
0xad: {  	[dreg:$0x1] =	wrdreg $0xFFFFFFFF  }
0xae: {  	[dreg:$0x0] =	wrdreg $0x60  }
0xaf: {  	[dreg:$0x2] =	wrdreg s18  }
0xb0: {  	[dreg:$0x3] =	wrdreg s2  }
0xb1: {  	[dreg:$0x4] =	wrdreg s24  }
0xb2: {  	[dreg:$0x5] =	wrdreg $0x9  }
0xb3: {  	_ =	task.clear_ibuf [dreg:s8], $0x6FFFF;
	_ =	strace $0x90000046  }
0xb4: {  	s29 =	simm.s32 $0x9;
	_ =	strace $0x8000004F  }
0xb5: {  	_ =	swait.ge [sflag:s29], $0x1  }
0xb6: {  	[sflag:s29] =	ssyncadd.s32 $0xFFFFFFFF  }
0xb7: {  	_ =	strace $0x9000004F  }
0xb8: {  	_ =	sfence  }
0xb9: {  	s30 =	sld [smem:$0x0];
	_ =	sdelay $0x2  }
0xba: {  	s31 =	sshll.u32 s1, $0xD;
	s1 =	sshrl.u32 s1, $0x2  }
0xbb: {  	s3 =	sand.u32 $0x4000, s31;
	s1 =	sadd.s32 s1, s30  }
0xbc: {  	s0 =	sor.u32 s3, s0;
	s1 =	sshll.u32 s1, $0x11  }
0xbd: {  	s0 =	sor.u32 s1, s0  }
0xbe: {  	s0 =	sadd.s32 $0x8F2B, s0  }
0xbf: {  	[sflag:s0] =	ssyncadd.remote.s32 $0x1  }
0xc0: {  	_ =	sfence.sel $0xFFFF  }
0xc1: {  	[dreg:$0x0] =	wrdreg $0xFFFFFFFF;
	(pc) =	sbr.abs _section_cstart, $3  }
0xc2: {  	[dreg:$0x1] =	wrdreg $0xFFFFFFFF  }
0xc3: {  	_ =	task.clear_ibuf [dreg:s8], $0x2FFFF;
	_ =	strace $0x9FFFFFFF  }
0xc4: {  	(tm) =	ssettm $0x7FFFFFFF  }
0xc5: {  	_ =	shalt  }
tec
execute0_lowered:
.L_overlay_start_1:
0x0: {  	(tag) =	ssettag $0x1  }
0x1: {  	v0 =	vimm.s32 $0x381;
	vm0 =	vcmask $0x300  }
0x2: {  	vm14 =	vcmask $0x704;
	v0 =	vsel vm0, $0x0, v0  }
0x3: {  	vm15 =	vcmask $0xB08;
	v0 =	vsel vm14, $0x80, v0  }
0x4: {  	vm4 =	vcmask $0xF0C;
	v0 =	vsel vm15, $0x100, v0  }
0x5: {  	vm5 =	vcmask $0x1310;
	v0 =	vsel vm4, $0x180, v0  }
0x6: {  	vm6 =	vcmask $0x1714;
	v0 =	vsel vm5, $0x200, v0  }
0x7: {  	s0 =	rddreg [dreg:$0x0];
	vm7 =	vcmask $0x1B18;
	v0 =	vsel vm6, $0x280, v0  }
0x8: {  	s1 =	rddreg [dreg:$0x1];
	vm8 =	vcmask $0x1F1C;
	v0 =	vsel vm7, $0x300, v0  }
0x9: {  	s2 =	srdreg.scid;
	s6 =	rddreg [dreg:$0x2];
	vm9 =	vcmask $0x2320;
	v0 =	vsel vm8, $0x380, v0  }
0xa: {  	vm10 =	vcmask $0x2724;
	s3 =	rddreg [dreg:$0x3];
	s5 =	sand.u32 $0x1, s2;
	v0 =	vsel vm9, $0x1, v0  }
0xb: {  	s4 =	simm.s32 $0x0;
	vm11 =	vcmask $0x2B28;
	s2 =	stileid.u32;
	s7 =	smul.u32 $0x320, s5;
	v0 =	vsel vm10, $0x81, v0  }
0xc: {  	vm12 =	vcmask $0x2F2C;
	s11 =	simm.s32 $0x4;
	s12 =	simm.s32 $0x0;
	s8 =	smul.u32 $0x32, s2;
	v0 =	vsel vm11, $0x101, v0  }
0xd: {  	vm13 =	vcmask $0x3330;
	[smem:$0x7FF] =	sst s4;
	s6 =	sadd.s32 $0x400, s6;
	s9 =	ssub.s32 $0x2, s5;
	v0 =	vsel vm12, $0x181, v0  }
0xe: {  	_ =	strace $0x80000047;
	vm14 =	vcmask $0x3734;
	s10 =	sshrl.u32 s9, $0x1;
	s5 =	sadd.s32 s8, s7;
	v0 =	vsel vm13, $0x201, v0  }
0xf: {  	vm15 =	vcmask $0x3B38;
	s31 =	ssub.s32 s9, s10;
	s9 =	simm.s32 $0x800;
	s7 =	sshll.u32 s5, $0x8;
	v0 =	vsel vm14, $0x281, v0  }
0x10: {  	s10 =	simm.s32 $0x5;
	s8 =	smax.u32 s31, $0x1;
	s7 =	sadd.s32 s1, s7;
	v0 =	vsel vm15, $0x301, v0  }
.LBB2_1:
0x11: {  	_ =	strace $0x80000048;
	s13 =	simm.s32 $0x0  }
0x12: {  	s14 =	simm.s32 $0x0;
	s15 =	simm.s32 $0x0;
	s16 =	simm.s32 $0x0  }
0x13: {  	[tilespmem:s9], [sflag:$0x1] =	stream.linear.gather [hbm4b:s7+s4], $0x800, $0x200038;
	[tilespmem:$0x11800] =	vst v63  }
0x14: {  	s17 =	simm.s32 $0x1;
	s18 =	simm.s32 $0x0;
	_ =	strace $0x90000048  }
.LBB2_2:
0x15: {  	s20 =	smov.u32 s13;
	s13 =	sadd.s32 $0x1, s13  }
0x16: {  	p0 =	seq.s32 s13, $0x32  }
0x17: {  	s13 =	simm.s32 @p0 $0x0  }
0x18: {  	p6 =	sne.s32 s18, $0x31;
	p1 =	sne.s32 s20, s13  }
0x19: {  	p0 =	por !p6, !p1  }
0x1a: {  	p0 =	por !p0, !p0  }
0x1b: {  	s21 =	sadd.s32 @p0 s13, s5  }
0x1c: {  	s19 =	sand.u32 @p0 $0x1, s17;
	_ =	strace @p0 $0x80000049;
	s21 =	sshll.u32 @p0 s21, $0x8  }
0x1d: {  	s23 =	simm.s32 @p0 $0x0;
	s22 =	sshll.u32 @p0 s19, $0xB;
	s21 =	sand.u32 @p0 $0x1FFFFF00, s21  }
0x1e: {  	s19 =	sadd.s32 @p0 $0x1, s19;
	s22 =	sadd.s32 @p0 $0x800, s22;
	s21 =	sadd.s32 @p0 s1, s21  }
0x1f: {  	[tilespmem:s22], [sflag:s19] =	stream.linear.gather @p0 [hbm4b:s21+s23], $0x800, $0x200038;
	[tilespmem:$0x11800] =	vst v63  }
0x20: {  	s25 =	simm.s32 $0x0;
	s26 =	sand.u32 $0x1, s16;
	s19 =	simm.s32 $0x0  }
0x21: {  	s21 =	sand.u32 $0xFFFFFC00, s25;
	_ =	strace @p0 $0x90000049;
	s28 =	sand.u32 $0x7E, s19  }
0x22: {  	s22 =	sadd.s32 $0x1, s26;
	_ =	strace $0x8000004A;
	s21 =	sor.u32 s28, s21  }
0x23: {  	_ =	swait.ge [sflag:s22], $0x800;
	v1 =	vor.u32 s21, v0  }
0x24: {  	s29 =	sshll.u32 s16, $0xB;
	[sflag:s22] =	ssyncset.done $0x0  }
0x25: {  	s30 =	simm.s32 $0x10;
	s31 =	simm.s32 $0x2;
	[sflag:s22] =	ssyncadd.s32 $0xFFFFF800  }
0x26: {  	s23 =	sand.u32 $0x7E, s31;
	s21 =	sand.u32 $0x800, s29;
	_ =	strace $0x9000004A  }
0x27: {  	s21 =	sadd.s32 $0x800, s21;
	s22 =	sand.u32 $0xFFFFFC00, s30;
	_ =	strace $0x8000004B  }
0x28: {  	s22 =	sor.u32 s23, s22;
	v2 =	vld.idx.msk [tilespmem:v1+s21+$0x0], $0xffff  }
0x29: {  	v1 =	vor.u32 s22, v0;
	_ =	sdelay $0x2  }
0x2a: {  	s24 =	simm.s32 $0x20  }
0x2b: {  	s20 =	sadd.s32 s20, s5;
	s23 =	simm.s32 $0x3;
	s22 =	simm.s32 $0x4;
	[tilespmem:s19+$0x0] =	vst v2  }
.LBB2_3:
0x2c: {  	p2 =	sne.s32 s23, $0x7F;
	s25 =	sand.u32 $0x7E, s22;
	s24 =	sand.u32 $0xFFFFFC00, s24;
	v2 =	vld.idx.msk [tilespmem:v1+s21+$0x0], $0xffff  }
0x2d: {  	s24 =	sor.u32 s25, s24  }
.Ltmp0:
0x2e: {  	v1 =	vor.u32 s24, v0;
	(pc) =	sbr.rel @p2 .LBB2_3-.Ltmp0, $3  }
0x2f: {  	_ =	sdelay $0x1  }
0x30: {  	s19 =	sadd.s32 $0x10, s19  }
0x31: {  	s22 =	sadd.s32 $0x2, s22;
	s24 =	sshll.u32 s23, $0x4;
	s23 =	sadd.s32 $0x1, s23;
	[tilespmem:s19+$0x0] =	vst v2  }
0x32: {  	_ =	sdelay $0x2  }
0x33: {  	s22 =	sand.u32 $0x7E, s22;
	s23 =	sand.u32 $0xFFFFFC00, s24  }
0x34: {  	v1 =	vld.idx.msk [tilespmem:v1+s21+$0x0], $0xffff;
	s22 =	sor.u32 s22, s23  }
0x35: {  	v2 =	vor.u32 s22, v0;
	_ =	sdelay $0x2  }
0x36: {  	s19 =	sadd.s32 $0x10, s19  }
0x37: {  	[tilespmem:s19+$0x0] =	vst v1  }
0x38: {  	v1 =	vld.idx.msk [tilespmem:v2+s21+$0x0], $0xffff;
	_ =	sdelay $0x2  }
0x39: {  	s21 =	sand.u32 $0x1, s15  }
0x3a: {  	s19 =	sadd.s32 $0x10, s19;
	s31 =	sshll.u32 s21, $0xF  }
0x3b: {  	p2 =	seq.s32 s18, $0x31;
	[tilespmem:s19+$0x0] =	vst v1;
	s19 =	sor.u32 $0x1800, s31  }
0x3c: {  	[tilespmem:s19], [sflag:$0x5] =	stream.indirect.gather [hbm4b:s0+s9], $0x10, s4, s9, $0x2000b8;
	[tilespmem:$0x11800] =	vst v63  }
0x3d: {  	p1 =	por p2, p1;
	_ =	swait.ge [sflag:s10], $0x8000  }
0x3e: {  	s22 =	simm.s32 $0x1;
	s20 =	sshll.u32 @p1 s20, $0xC;
	[sflag:s10] =	ssyncset.done $0x0  }
0x3f: {  	s23 =	simm.s32 @p1 $0x0;
	s22 =	simm.s32 @!p0 $0x0;
	[sflag:s10] =	ssyncadd.s32 $0xFFFF8000  }
0x40: {  	s20 =	sand.u32 @p1 $0x1FFFF000, s20;
	p0 =	seq.s32 s18, $0x0;
	_ =	strace $0x9000004B  }
0x41: {  	s20 =	sadd.s32 @p1 s6, s20;
	s21 =	sadd.s32 @p1 $0x3, s21;
	_ =	strace @p1 $0x8000004C  }
0x42: {  	[hbm4b:s20+s23] =	stream.linear.scatter @p1 [tilespmem:s19], [sflag:s21], $0x8000, $0x200038;
	[tilespmem:$0x11800] =	vst v63  }
0x43: {  	s19 =	simm.s32 $0x1;
	s21 =	simm.s32 $0x1;
	_ =	strace @p1 $0x9000004C  }
0x44: {  	s19 =	simm.s32 @!p1 $0x0;
	p1 =	sne.s32 s18, $0x0;
	s18 =	sadd.s32 $0x1, s18  }
0x45: {  	s20 =	sand.u32 @!p0 $0x1, s14;
	s21 =	simm.s32 @!p1 $0x0;
	p1 =	sne.s32 s18, $0x32  }
.Ltmp1:
0x46: {  	s20 =	sadd.s32 @!p0 $0x3, s20;
	_ =	strace @!p0 $0x8000004D;
	(pc) =	sbr.rel @p1 .LBB2_2-.Ltmp1, $4  }
0x47: {  	_ =	swait.ge @!p0 [sflag:s20], $0x8000  }
0x48: {  	[sflag:s20] =	ssyncset.done @!p0 $0x0  }
0x49: {  	s17 =	sadd.s32 s22, s17;
	s15 =	sadd.s32 s19, s15;
	[sflag:s20] =	ssyncadd.s32 @!p0 $0xFFFF8000  }
0x4a: {  	s16 =	sadd.s32 s19, s16;
	s14 =	sadd.s32 s21, s14;
	_ =	strace @!p0 $0x9000004D  }
0x4b: {  	s12 =	sadd.s32 $0x1, s12  }
0x4c: {  	p0 =	sne.s32 s12, s8  }
.Ltmp2:
0x4d: {  	_ =	strace $0x8000004E;
	(pc) =	sbr.rel @p0 .LBB2_1-.Ltmp2, $4  }
0x4e: {  	_ =	swait.ge [sflag:s11], $0x8000  }
0x4f: {  	[sflag:s11] =	ssyncset.done $0x0  }
0x50: {  	[sflag:s11] =	ssyncadd.s32 $0xFFFF8000  }
0x51: {  	_ =	strace $0x9000004E  }
0x52: {  	_ =	sfence.sel $0x180000  }
0x53: {  	[bflag:$0x0] =	sbarrier.arrive $0xFFFF  }
0x54: {  	p0 =	sne.s32 s2, $0x0;
	_ =	strace $0x90000047  }
0x55: {  	s0 =	sadd.s32 @!p0 $0x100000, s3;
	[bflag:$0x2] =	sbarrier.arrive $0xFFFF  }
0x56: {  	[sflag:s0] =	ssyncadd.tile.s32 @!p0 $0x1;
	_ =	shalt  }
.Lfunc_end2:
_tile_overlayer_lowered:
.L_overlay_start_2:
0x57: {  	(tag) =	ssettag $0x2  }
0x58: {  	s0 =	rddreg [dreg:$0x0];
	s2 =	stileid.u32  }
0x59: {  	s1 =	rddreg [dreg:$0x1];
	p0 =	sne.s32 s2, $0x0  }
0x5a: {  	s3 =	rddreg [dreg:$0x2];
	[bflag:$0x3] =	sbarrier.arrive $0xFFFF;
	s2 =	simm.s32 @!p0 $0x1C01  }
0x5b: {  	[timem:s3], [sflag:s2] =	dma.local @!p0 [hbm:s0], s1  }
0x5c: {  	s0 =	simm.s32 @!p0 $0x1  }
0x5d: {  	_ =	swait.ge @!p0 [sflag:s0], s1  }
0x5e: {  	s1 =	ssub.s32 @!p0 $0x0, s1;
	[sflag:s0] =	ssyncset.done @!p0 $0x0  }
0x5f: {  	[sflag:s0] =	ssyncadd.s32 @!p0 s1  }
0x60: {  	[bflag:$0x3] =	sbarrier.arrive $0xFFFF  }
0x61: {  	_ =	shalt  }

</sc_bundles>
